<compile_context>
chip_gen: v7x
topology: tpu7x:2x2x1
jax: 0.10.2.dev20260603
libtpu: 0.0.44.dev20260713+nightly
codegen_flags: <defaults>
</compile_context>

<pallas_src>
import functools

import jax
import jax.numpy as jnp
from jax import lax
from jax.experimental import pallas as pl
from jax.experimental.pallas import tpu as pltpu
from jax.experimental.pallas import tpu_sc as plsc

_NC = 2
_NS = 16
_L = 16
_NW = _NC * _NS
_NP = 8
_B = _NP * 64
_BPW = _B // _NW
_EPW = _BPW * 64

_mesh = plsc.VectorSubcoreMesh(core_axis_name="c", subcore_axis_name="s")


@functools.partial(
    pl.kernel,
    mesh=_mesh,
    out_type=jax.ShapeDtypeStruct((_B * 64,), jnp.float32),
    scratch_types=[
        pltpu.VMEM((2, _L), jnp.int32),
        pltpu.VMEM((_EPW,), jnp.int32),
        pltpu.VMEM((_EPW,), jnp.float32),
        pltpu.SemaphoreType.DMA,
    ],
)
def _gather_sc(x_hbm, pack_hbm, out_hbm, pair_v, idx_v, elems_v, sem):
    wid = lax.axis_index("s") * _NC + lax.axis_index("c")
    p = wid // 4
    jbase = (wid % 4) * _BPW
    _z = jnp.int32(0)
    _o = jnp.int32(1)
    pltpu.sync_copy(pack_hbm.at[p], pair_v)
    i1v = pair_v[_z]
    i2v = pair_v[_o]
    lane = lax.iota(jnp.int32, _L)
    base = ((i1v * 64 + jbase) * 64 + lane) * 128 + i2v

    def _chunk(j, carry):
        for q in range(4):
            idx_v[pl.ds((j * 4 + q) * _L, _L)] = base + (j * 64 + q * _L) * 128
        return carry

    lax.fori_loop(jnp.int32(0), jnp.int32(_BPW), _chunk, None)
    pltpu.async_copy(x_hbm.at[idx_v], elems_v, sem).wait()
    pltpu.sync_copy(elems_v, out_hbm.at[pl.ds(wid * _EPW, _EPW)])


def kernel(x, index1, index2):
    xflat = x.transpose(0, 1, 3, 2).reshape(-1)
    pairs = jnp.stack(
        [index1.reshape(8).astype(jnp.int32), index2.reshape(8).astype(jnp.int32)],
        axis=1,
    )
    pack = jnp.broadcast_to(pairs[:, :, None], (_NP, 2, _L))
    return _gather_sc(xflat, pack).reshape(4, 2, 64, 64)

# --- scband reference (transcript-rebuilt; emitter-appended) ---
"""Pipeline reference for scband-index-tensor-multi-input-non-contiguous-86492051407094 (READ-ONLY COPY).

The authoritative reference and input builder live on the scoring server;
editing this copy changes nothing except your own understanding.
"""

import jax, jax.numpy as jnp
import numpy as np
jax.config.update("jax_enable_x64", True)


def setup_inputs(seed: int = 0) -> dict:
    key = jax.random.key(seed)
    k1, k2, k3 = jax.random.split(key, 3)
    x = jax.random.normal(k1, (128, 64, 128, 64), dtype=jnp.float32)
    index1 = jax.random.randint(k2, (4, 2), 0, 128, dtype=jnp.int64)
    index2 = jax.random.randint(k3, (4, 2), 0, 128, dtype=jnp.int64)
    return {"x": x, "index1": index1, "index2": index2}


def reference(x, index1, index2):
    # torch.ops.aten.index(x, (index1, None, index2)) == x[index1, :, index2]
    # Advanced indices on dims 0 and 2 are non-contiguous (separated by a
    # full slice on dim 1), so NumPy/JAX semantics place the broadcasted
    # index dims [4, 2] at the FRONT of the result:
    #   out[a, b, j, l] = x[index1[a, b], j, index2[a, b], l]
    # out shape: [4, 2, 64, 64]
    return x[index1, :, index2]

if __name__ == "__main__":
    import jax
    _d = setup_inputs()
    print(jax.jit(kernel)(*tuple(_d.values())))

</pallas_src>

<mosaic_0001>
#map = affine_map<(d0, d1) -> (0)>
#map1 = affine_map<(d0, d1) -> (0, 0, 0)>
module attributes {stable_mosaic.version = 14 : i64} {
  func.func @_gather_sc(%arg0: i32, %arg1: i32, %arg2: memref<67108864xf32, #tpu.memory_space<hbm>>, %arg3: memref<8x2x16xi32, #tpu.memory_space<hbm>>, %arg4: memref<32768xf32, #tpu.memory_space<hbm>>, %arg5: memref<2x16xi32, #tpu.memory_space<vmem>>, %arg6: memref<1024xi32, #tpu.memory_space<vmem>>, %arg7: memref<1024xf32, #tpu.memory_space<vmem>>, %arg8: memref<!tpu.dma_semaphore, #tpu.memory_space<semaphore_mem>>) attributes {dimension_semantics = [#tpu.dimension_semantics<core_parallel>, #tpu.dimension_semantics<subcore_parallel>], iteration_bounds = array<i64: 2, 16>, scalar_prefetch = 0 : i64, scratch_operands = 4 : i64, tpu.core_type = #tpu.core_type<sc_vector_subcore>, window_params = [{transform_indices = #map}, {transform_indices = #map1}, {transform_indices = #map}]} {
    %mul3A = arith.constant 2 : i32
    %mul3A_0 = arith.muli %arg1, %mul3A : i32
    %add3A = arith.addi %mul3A_0, %arg0 : i32
    %jit3A = arith.constant 4 : i64
    %convert_element_type3A = arith.trunci %jit3A : i64 to i32
    %div3A = arith.divsi %add3A, %convert_element_type3A : i32
    %sign3A = arith.constant 0 : i32
    %sign3A_1 = arith.cmpi sgt, %add3A, %sign3A : i32
    %sign3A_2 = arith.extui %sign3A_1 : i1 to i32
    %sign3A_3 = arith.constant 0 : i32
    %sign3A_4 = arith.cmpi slt, %add3A, %sign3A_3 : i32
    %sign3A_5 = arith.extui %sign3A_4 : i1 to i32
    %sign3A_6 = arith.subi %sign3A_2, %sign3A_5 : i32
    %sign3A_7 = arith.constant 0 : i32
    %sign3A_8 = arith.cmpi sgt, %convert_element_type3A, %sign3A_7 : i32
    %sign3A_9 = arith.extui %sign3A_8 : i1 to i32
    %sign3A_10 = arith.constant 0 : i32
    %sign3A_11 = arith.cmpi slt, %convert_element_type3A, %sign3A_10 : i32
    %sign3A_12 = arith.extui %sign3A_11 : i1 to i32
    %sign3A_13 = arith.subi %sign3A_9, %sign3A_12 : i32
    %ne3A = arith.cmpi ne, %sign3A_6, %sign3A_13 : i32
    %rem3A = arith.remsi %add3A, %convert_element_type3A : i32
    %ne3A_14 = arith.constant 0 : i32
    %ne3A_15 = arith.cmpi ne, %rem3A, %ne3A_14 : i32
    %and3A = arith.andi %ne3A, %ne3A_15 : i1
    %sub3A = arith.constant 1 : i32
    %sub3A_16 = arith.subi %div3A, %sub3A : i32
    %select_n3A = arith.select %and3A, %sub3A_16, %div3A : i32
    %jit3A_17 = arith.constant 4 : i64
    %convert_element_type3A_18 = arith.trunci %jit3A_17 : i64 to i32
    %eq3A = arith.constant 0 : i32
    %eq3A_19 = arith.cmpi eq, %convert_element_type3A_18, %eq3A : i32
    %jit3A_20 = arith.constant 1 : i32
    %select_n3A_21 = arith.select %eq3A_19, %jit3A_20, %convert_element_type3A_18 : i32
    %rem3A_22 = arith.remsi %add3A, %select_n3A_21 : i32
    %ne3A_23 = arith.constant 0 : i32
    %ne3A_24 = arith.cmpi ne, %rem3A_22, %ne3A_23 : i32
    %lt3A = arith.constant 0 : i32
    %lt3A_25 = arith.cmpi slt, %rem3A_22, %lt3A : i32
    %lt3A_26 = arith.constant 0 : i32
    %lt3A_27 = arith.cmpi slt, %select_n3A_21, %lt3A_26 : i32
    %ne3A_28 = arith.xori %lt3A_25, %lt3A_27 : i1
    %and3A_29 = arith.andi %ne3A_28, %ne3A_24 : i1
    %add3A_30 = arith.addi %rem3A_22, %select_n3A_21 : i32
    %select_n3A_31 = arith.select %and3A_29, %add3A_30, %rem3A_22 : i32
    %mul3A_32 = arith.constant 16 : i32
    %mul3A_33 = arith.muli %select_n3A_31, %mul3A_32 : i32
    "tpu.region"() ({
      %run_scoped3A = tpu.sem_alloc : memref<!tpu.dma_semaphore, #tpu.memory_space<semaphore_mem>>
      %dma_start3A_69 = arith.constant 0 : i32
      %dma_start3A_70 = arith.constant 0 : i32
      %dma_start3A_71 = tpu.memref_slice %arg3[%select_n3A, %dma_start3A_69, %dma_start3A_70] : memref<8x2x16xi32, #tpu.memory_space<hbm>> -> memref<1x2x16xi32, #tpu.memory_space<hbm>>
      %dma_start3A_72 = tpu.memref_squeeze %dma_start3A_71 : memref<1x2x16xi32, #tpu.memory_space<hbm>> -> memref<2x16xi32, #tpu.memory_space<hbm>>
      %dma_start3A_73 = arith.constant 0 : i32
      %dma_start3A_74 = arith.constant 0 : i32
      %dma_start3A_75 = tpu.memref_slice %arg3[%select_n3A, %dma_start3A_73, %dma_start3A_74] : memref<8x2x16xi32, #tpu.memory_space<hbm>> -> memref<1x2x16xi32, #tpu.memory_space<hbm>>
      %dma_start3A_76 = tpu.memref_squeeze %dma_start3A_75 : memref<1x2x16xi32, #tpu.memory_space<hbm>> -> memref<2x16xi32, #tpu.memory_space<hbm>>
      tpu.enqueue_dma source(%dma_start3A_76 : memref<2x16xi32, #tpu.memory_space<hbm>>) target(%arg5 : memref<2x16xi32, #tpu.memory_space<vmem>>) target_semaphore(%run_scoped3A : memref<!tpu.dma_semaphore, #tpu.memory_space<semaphore_mem>>)
      %dma_wait3A_77 = arith.constant 0 : i32
      %dma_wait3A_78 = arith.constant 0 : i32
      %dma_wait3A_79 = tpu.memref_slice %arg3[%select_n3A, %dma_wait3A_77, %dma_wait3A_78] : memref<8x2x16xi32, #tpu.memory_space<hbm>> -> memref<1x2x16xi32, #tpu.memory_space<hbm>>
      %dma_wait3A_80 = tpu.memref_squeeze %dma_wait3A_79 : memref<1x2x16xi32, #tpu.memory_space<hbm>> -> memref<2x16xi32, #tpu.memory_space<hbm>>
      %dma_wait3A_81 = arith.constant 0 : i32
      %dma_wait3A_82 = arith.constant 0 : i32
      %dma_wait3A_83 = tpu.memref_slice %arg3[%select_n3A, %dma_wait3A_81, %dma_wait3A_82] : memref<8x2x16xi32, #tpu.memory_space<hbm>> -> memref<1x2x16xi32, #tpu.memory_space<hbm>>
      %dma_wait3A_84 = tpu.memref_squeeze %dma_wait3A_83 : memref<1x2x16xi32, #tpu.memory_space<hbm>> -> memref<2x16xi32, #tpu.memory_space<hbm>>
      tpu.wait_dma2 semaphore(%run_scoped3A : memref<!tpu.dma_semaphore, #tpu.memory_space<semaphore_mem>>) src(%dma_wait3A_84 : memref<2x16xi32, #tpu.memory_space<hbm>>) dst(%arg5 : memref<2x16xi32, #tpu.memory_space<vmem>>)
      tpu.yield
    }) : () -> ()
    %get3A = arith.constant 0 : i32
    %get3A_34 = arith.index_cast %get3A : i32 to index
    %get3A_35 = arith.constant 0 : index
    %get3A_36 = tpu.vector_load %arg5[%get3A_34, %get3A_35] {strides = array<i32>} : memref<2x16xi32, #tpu.memory_space<vmem>>, vector<1x16xi32>,
    %get3A_37 = vector.shape_cast %get3A_36 : vector<1x16xi32> to vector<16xi32>
    %get3A_38 = arith.constant 1 : i32
    %get3A_39 = arith.index_cast %get3A_38 : i32 to index
    %get3A_40 = arith.constant 0 : index
    %get3A_41 = tpu.vector_load %arg5[%get3A_39, %get3A_40] {strides = array<i32>} : memref<2x16xi32, #tpu.memory_space<vmem>>, vector<1x16xi32>,
    %get3A_42 = vector.shape_cast %get3A_41 : vector<1x16xi32> to vector<16xi32>
    %iota3A = tpu.iota {dimensions = array<i32: 0>} : vector<16xi32>
    %mul3A_43 = arith.constant 64 : i32
    %mul3A_44 = vector.broadcast %mul3A_43 : i32 to vector<16xi32>
    %mul3A_45 = arith.muli %get3A_37, %mul3A_44 : vector<16xi32>
    %add3A_46 = vector.broadcast %mul3A_33 : i32 to vector<16xi32>
    %add3A_47 = arith.addi %mul3A_45, %add3A_46 : vector<16xi32>
    %mul3A_48 = arith.constant 64 : i32
    %mul3A_49 = vector.broadcast %mul3A_48 : i32 to vector<16xi32>
    %mul3A_50 = arith.muli %add3A_47, %mul3A_49 : vector<16xi32>
    %add3A_51 = arith.addi %mul3A_50, %iota3A : vector<16xi32>
    %mul3A_52 = arith.constant 128 : i32
    %mul3A_53 = vector.broadcast %mul3A_52 : i32 to vector<16xi32>
    %mul3A_54 = arith.muli %add3A_51, %mul3A_53 : vector<16xi32>
    %add3A_55 = arith.addi %mul3A_54, %get3A_42 : vector<16xi32>
    %while3A = arith.constant 0 : i32
    %while3A_56 = arith.constant 16 : i32
    %while3A_57 = arith.subi %while3A_56, %while3A : i32
    %while3A_58 = arith.addi %while3A, %while3A_57 : i32
    %while3A_59 = arith.constant 1 : i32
    %while3A_60 = arith.divsi %while3A_57, %while3A_59 : i32
    %while3A_61 = arith.muli %while3A_60, %while3A_59 : i32
    %while3A_62 = arith.addi %while3A, %while3A_61 : i32
    %while3A_63 = arith.constant 1 : i32
    scf.for %while3A_69 = %while3A to %while3A_62 step %while3A_63  : i32 {
      %mul3A_70 = arith.constant 64 : i32
      %mul3A_71 = arith.muli %while3A_69, %mul3A_70 : i32
      %add3A_72 = arith.constant 0 : i32
      %add3A_73 = arith.addi %mul3A_71, %add3A_72 : i32
      %mul3A_74 = arith.constant 128 : i32
      %mul3A_75 = arith.muli %add3A_73, %mul3A_74 : i32
      %add3A_76 = vector.broadcast %mul3A_75 : i32 to vector<16xi32>
      %add3A_77 = arith.addi %add3A_55, %add3A_76 : vector<16xi32>
      %mul3A_78 = arith.constant 4 : i32
      %mul3A_79 = arith.muli %while3A_69, %mul3A_78 : i32
      %add3A_80 = arith.constant 0 : i32
      %add3A_81 = arith.addi %mul3A_79, %add3A_80 : i32
      %mul3A_82 = arith.constant 16 : i32
      %mul3A_83 = arith.muli %add3A_81, %mul3A_82 : i32
      %swap3A = arith.index_cast %mul3A_83 : i32 to index
      %swap3A_84 = tpu.vector_load %arg6[%swap3A] {strides = array<i32>} : memref<1024xi32, #tpu.memory_space<vmem>>, vector<16xi32>,
      %swap3A_85 = vector.shape_cast %swap3A_84 : vector<16xi32> to vector<16xi32>
      %swap3A_86 = vector.shape_cast %add3A_77 : vector<16xi32> to vector<16xi32>
      tpu.vector_store %arg6[%swap3A], %swap3A_86 {strides = array<i32>} : memref<1024xi32, #tpu.memory_space<vmem>>, vector<16xi32>,
      %mul3A_87 = arith.constant 64 : i32
      %mul3A_88 = arith.muli %while3A_69, %mul3A_87 : i32
      %add3A_89 = arith.constant 16 : i32
      %add3A_90 = arith.addi %mul3A_88, %add3A_89 : i32
      %mul3A_91 = arith.constant 128 : i32
      %mul3A_92 = arith.muli %add3A_90, %mul3A_91 : i32
      %add3A_93 = vector.broadcast %mul3A_92 : i32 to vector<16xi32>
      %add3A_94 = arith.addi %add3A_55, %add3A_93 : vector<16xi32>
      %mul3A_95 = arith.constant 4 : i32
      %mul3A_96 = arith.muli %while3A_69, %mul3A_95 : i32
      %add3A_97 = arith.constant 1 : i32
      %add3A_98 = arith.addi %mul3A_96, %add3A_97 : i32
      %mul3A_99 = arith.constant 16 : i32
      %mul3A_100 = arith.muli %add3A_98, %mul3A_99 : i32
      %swap3A_101 = arith.index_cast %mul3A_100 : i32 to index
      %swap3A_102 = tpu.vector_load %arg6[%swap3A_101] {strides = array<i32>} : memref<1024xi32, #tpu.memory_space<vmem>>, vector<16xi32>,
      %swap3A_103 = vector.shape_cast %swap3A_102 : vector<16xi32> to vector<16xi32>
      %swap3A_104 = vector.shape_cast %add3A_94 : vector<16xi32> to vector<16xi32>
      tpu.vector_store %arg6[%swap3A_101], %swap3A_104 {strides = array<i32>} : memref<1024xi32, #tpu.memory_space<vmem>>, vector<16xi32>,
      %mul3A_105 = arith.constant 64 : i32
      %mul3A_106 = arith.muli %while3A_69, %mul3A_105 : i32
      %add3A_107 = arith.constant 32 : i32
      %add3A_108 = arith.addi %mul3A_106, %add3A_107 : i32
      %mul3A_109 = arith.constant 128 : i32
      %mul3A_110 = arith.muli %add3A_108, %mul3A_109 : i32
      %add3A_111 = vector.broadcast %mul3A_110 : i32 to vector<16xi32>
      %add3A_112 = arith.addi %add3A_55, %add3A_111 : vector<16xi32>
      %mul3A_113 = arith.constant 4 : i32
      %mul3A_114 = arith.muli %while3A_69, %mul3A_113 : i32
      %add3A_115 = arith.constant 2 : i32
      %add3A_116 = arith.addi %mul3A_114, %add3A_115 : i32
      %mul3A_117 = arith.constant 16 : i32
      %mul3A_118 = arith.muli %add3A_116, %mul3A_117 : i32
      %swap3A_119 = arith.index_cast %mul3A_118 : i32 to index
      %swap3A_120 = tpu.vector_load %arg6[%swap3A_119] {strides = array<i32>} : memref<1024xi32, #tpu.memory_space<vmem>>, vector<16xi32>,
      %swap3A_121 = vector.shape_cast %swap3A_120 : vector<16xi32> to vector<16xi32>
      %swap3A_122 = vector.shape_cast %add3A_112 : vector<16xi32> to vector<16xi32>
      tpu.vector_store %arg6[%swap3A_119], %swap3A_122 {strides = array<i32>} : memref<1024xi32, #tpu.memory_space<vmem>>, vector<16xi32>,
      %mul3A_123 = arith.constant 64 : i32
      %mul3A_124 = arith.muli %while3A_69, %mul3A_123 : i32
      %add3A_125 = arith.constant 48 : i32
      %add3A_126 = arith.addi %mul3A_124, %add3A_125 : i32
      %mul3A_127 = arith.constant 128 : i32
      %mul3A_128 = arith.muli %add3A_126, %mul3A_127 : i32
      %add3A_129 = vector.broadcast %mul3A_128 : i32 to vector<16xi32>
      %add3A_130 = arith.addi %add3A_55, %add3A_129 : vector<16xi32>
      %mul3A_131 = arith.constant 4 : i32
      %mul3A_132 = arith.muli %while3A_69, %mul3A_131 : i32
      %add3A_133 = arith.constant 3 : i32
      %add3A_134 = arith.addi %mul3A_132, %add3A_133 : i32
      %mul3A_135 = arith.constant 16 : i32
      %mul3A_136 = arith.muli %add3A_134, %mul3A_135 : i32
      %swap3A_137 = arith.index_cast %mul3A_136 : i32 to index
      %swap3A_138 = tpu.vector_load %arg6[%swap3A_137] {strides = array<i32>} : memref<1024xi32, #tpu.memory_space<vmem>>, vector<16xi32>,
      %swap3A_139 = vector.shape_cast %swap3A_138 : vector<16xi32> to vector<16xi32>
      %swap3A_140 = vector.shape_cast %add3A_130 : vector<16xi32> to vector<16xi32>
      tpu.vector_store %arg6[%swap3A_137], %swap3A_140 {strides = array<i32>} : memref<1024xi32, #tpu.memory_space<vmem>>, vector<16xi32>,
    }
    %while3A_64 = arith.constant 1 : i32
    scf.for %while3A_69 = %while3A_62 to %while3A_58 step %while3A_64  : i32 {
      %mul3A_70 = arith.constant 64 : i32
      %mul3A_71 = arith.muli %while3A_69, %mul3A_70 : i32
      %add3A_72 = arith.constant 0 : i32
      %add3A_73 = arith.addi %mul3A_71, %add3A_72 : i32
      %mul3A_74 = arith.constant 128 : i32
      %mul3A_75 = arith.muli %add3A_73, %mul3A_74 : i32
      %add3A_76 = vector.broadcast %mul3A_75 : i32 to vector<16xi32>
      %add3A_77 = arith.addi %add3A_55, %add3A_76 : vector<16xi32>
      %mul3A_78 = arith.constant 4 : i32
      %mul3A_79 = arith.muli %while3A_69, %mul3A_78 : i32
      %add3A_80 = arith.constant 0 : i32
      %add3A_81 = arith.addi %mul3A_79, %add3A_80 : i32
      %mul3A_82 = arith.constant 16 : i32
      %mul3A_83 = arith.muli %add3A_81, %mul3A_82 : i32
      %swap3A = arith.index_cast %mul3A_83 : i32 to index
      %swap3A_84 = tpu.vector_load %arg6[%swap3A] {strides = array<i32>} : memref<1024xi32, #tpu.memory_space<vmem>>, vector<16xi32>,
      %swap3A_85 = vector.shape_cast %swap3A_84 : vector<16xi32> to vector<16xi32>
      %swap3A_86 = vector.shape_cast %add3A_77 : vector<16xi32> to vector<16xi32>
      tpu.vector_store %arg6[%swap3A], %swap3A_86 {strides = array<i32>} : memref<1024xi32, #tpu.memory_space<vmem>>, vector<16xi32>,
      %mul3A_87 = arith.constant 64 : i32
      %mul3A_88 = arith.muli %while3A_69, %mul3A_87 : i32
      %add3A_89 = arith.constant 16 : i32
      %add3A_90 = arith.addi %mul3A_88, %add3A_89 : i32
      %mul3A_91 = arith.constant 128 : i32
      %mul3A_92 = arith.muli %add3A_90, %mul3A_91 : i32
      %add3A_93 = vector.broadcast %mul3A_92 : i32 to vector<16xi32>
      %add3A_94 = arith.addi %add3A_55, %add3A_93 : vector<16xi32>
      %mul3A_95 = arith.constant 4 : i32
      %mul3A_96 = arith.muli %while3A_69, %mul3A_95 : i32
      %add3A_97 = arith.constant 1 : i32
      %add3A_98 = arith.addi %mul3A_96, %add3A_97 : i32
      %mul3A_99 = arith.constant 16 : i32
      %mul3A_100 = arith.muli %add3A_98, %mul3A_99 : i32
      %swap3A_101 = arith.index_cast %mul3A_100 : i32 to index
      %swap3A_102 = tpu.vector_load %arg6[%swap3A_101] {strides = array<i32>} : memref<1024xi32, #tpu.memory_space<vmem>>, vector<16xi32>,
      %swap3A_103 = vector.shape_cast %swap3A_102 : vector<16xi32> to vector<16xi32>
      %swap3A_104 = vector.shape_cast %add3A_94 : vector<16xi32> to vector<16xi32>
      tpu.vector_store %arg6[%swap3A_101], %swap3A_104 {strides = array<i32>} : memref<1024xi32, #tpu.memory_space<vmem>>, vector<16xi32>,
      %mul3A_105 = arith.constant 64 : i32
      %mul3A_106 = arith.muli %while3A_69, %mul3A_105 : i32
      %add3A_107 = arith.constant 32 : i32
      %add3A_108 = arith.addi %mul3A_106, %add3A_107 : i32
      %mul3A_109 = arith.constant 128 : i32
      %mul3A_110 = arith.muli %add3A_108, %mul3A_109 : i32
      %add3A_111 = vector.broadcast %mul3A_110 : i32 to vector<16xi32>
      %add3A_112 = arith.addi %add3A_55, %add3A_111 : vector<16xi32>
      %mul3A_113 = arith.constant 4 : i32
      %mul3A_114 = arith.muli %while3A_69, %mul3A_113 : i32
      %add3A_115 = arith.constant 2 : i32
      %add3A_116 = arith.addi %mul3A_114, %add3A_115 : i32
      %mul3A_117 = arith.constant 16 : i32
      %mul3A_118 = arith.muli %add3A_116, %mul3A_117 : i32
      %swap3A_119 = arith.index_cast %mul3A_118 : i32 to index
      %swap3A_120 = tpu.vector_load %arg6[%swap3A_119] {strides = array<i32>} : memref<1024xi32, #tpu.memory_space<vmem>>, vector<16xi32>,
      %swap3A_121 = vector.shape_cast %swap3A_120 : vector<16xi32> to vector<16xi32>
      %swap3A_122 = vector.shape_cast %add3A_112 : vector<16xi32> to vector<16xi32>
      tpu.vector_store %arg6[%swap3A_119], %swap3A_122 {strides = array<i32>} : memref<1024xi32, #tpu.memory_space<vmem>>, vector<16xi32>,
      %mul3A_123 = arith.constant 64 : i32
      %mul3A_124 = arith.muli %while3A_69, %mul3A_123 : i32
      %add3A_125 = arith.constant 48 : i32
      %add3A_126 = arith.addi %mul3A_124, %add3A_125 : i32
      %mul3A_127 = arith.constant 128 : i32
      %mul3A_128 = arith.muli %add3A_126, %mul3A_127 : i32
      %add3A_129 = vector.broadcast %mul3A_128 : i32 to vector<16xi32>
      %add3A_130 = arith.addi %add3A_55, %add3A_129 : vector<16xi32>
      %mul3A_131 = arith.constant 4 : i32
      %mul3A_132 = arith.muli %while3A_69, %mul3A_131 : i32
      %add3A_133 = arith.constant 3 : i32
      %add3A_134 = arith.addi %mul3A_132, %add3A_133 : i32
      %mul3A_135 = arith.constant 16 : i32
      %mul3A_136 = arith.muli %add3A_134, %mul3A_135 : i32
      %swap3A_137 = arith.index_cast %mul3A_136 : i32 to index
      %swap3A_138 = tpu.vector_load %arg6[%swap3A_137] {strides = array<i32>} : memref<1024xi32, #tpu.memory_space<vmem>>, vector<16xi32>,
      %swap3A_139 = vector.shape_cast %swap3A_138 : vector<16xi32> to vector<16xi32>
      %swap3A_140 = vector.shape_cast %add3A_130 : vector<16xi32> to vector<16xi32>
      tpu.vector_store %arg6[%swap3A_137], %swap3A_140 {strides = array<i32>} : memref<1024xi32, #tpu.memory_space<vmem>>, vector<16xi32>,
    }
    %dma_start3A = arith.constant 0 : i32
    %dma_start3A_65 = tpu.memref_slice %arg2[%dma_start3A] : memref<67108864xf32, #tpu.memory_space<hbm>> -> memref<67108864xf32, #tpu.memory_space<hbm>>
    tpu.enqueue_indirect_dma source(%dma_start3A_65 : memref<67108864xf32, #tpu.memory_space<hbm>>) target(%arg7 : memref<1024xf32, #tpu.memory_space<vmem>>) offsets(%arg6 : memref<1024xi32, #tpu.memory_space<vmem>>) semaphore(%arg8 : memref<!tpu.dma_semaphore, #tpu.memory_space<semaphore_mem>>)
    %dma_wait3A = arith.constant 0 : i32
    %dma_wait3A_66 = tpu.memref_slice %arg2[%dma_wait3A] : memref<67108864xf32, #tpu.memory_space<hbm>> -> memref<67108864xf32, #tpu.memory_space<hbm>>
    tpu.wait_indirect_dma semaphore(%arg8 : memref<!tpu.dma_semaphore, #tpu.memory_space<semaphore_mem>>) src(%dma_wait3A_66 : memref<67108864xf32, #tpu.memory_space<hbm>>) dst(%arg7 : memref<1024xf32, #tpu.memory_space<vmem>>)
    %mul3A_67 = arith.constant 1024 : i32
    %mul3A_68 = arith.muli %add3A, %mul3A_67 : i32
    "tpu.region"() ({
      %run_scoped3A = tpu.sem_alloc : memref<!tpu.dma_semaphore, #tpu.memory_space<semaphore_mem>>
      %dma_start3A_69 = tpu.memref_slice %arg4[%mul3A_68] : memref<32768xf32, #tpu.memory_space<hbm>> -> memref<1024xf32, #tpu.memory_space<hbm>>
      %dma_start3A_70 = tpu.memref_slice %arg4[%mul3A_68] : memref<32768xf32, #tpu.memory_space<hbm>> -> memref<1024xf32, #tpu.memory_space<hbm>>
      tpu.enqueue_dma source(%arg7 : memref<1024xf32, #tpu.memory_space<vmem>>) target(%dma_start3A_70 : memref<1024xf32, #tpu.memory_space<hbm>>) target_semaphore(%run_scoped3A : memref<!tpu.dma_semaphore, #tpu.memory_space<semaphore_mem>>)
      %dma_wait3A_71 = tpu.memref_slice %arg4[%mul3A_68] : memref<32768xf32, #tpu.memory_space<hbm>> -> memref<1024xf32, #tpu.memory_space<hbm>>
      %dma_wait3A_72 = tpu.memref_slice %arg4[%mul3A_68] : memref<32768xf32, #tpu.memory_space<hbm>> -> memref<1024xf32, #tpu.memory_space<hbm>>
      tpu.wait_dma2 semaphore(%run_scoped3A : memref<!tpu.dma_semaphore, #tpu.memory_space<semaphore_mem>>) src(%arg7 : memref<1024xf32, #tpu.memory_space<vmem>>) dst(%dma_wait3A_72 : memref<1024xf32, #tpu.memory_space<hbm>>)
      tpu.yield
    }) : () -> ()
    return
  }
}

</mosaic_0001>

<sc_bundles>
// kernel: kernel.3.cloned.1.call-start
scs
__scs_entry_jumppad:
0x0: {  	(pc) =	sbr.rel $0x88, $3  }
0x1: {  	(tag) =	ssettag $0x0;
	lr =	simm.s32 $0x1  }
0x2: {  	[smem:$0x3F9E] =	sst lr;
	_ =	strace $0xD0000000  }
0x3: {  	_ = 	snop  }
0x4: {  	_ = 	snop  }
0x5: {  	_ = 	snop  }
0x6: {  	_ = 	snop  }
0x7: {  	_ = 	snop  }
__scs_overlays_trampoline_lowered:
0x8: {  	[smem:$0x3FAD] =	sst s0  }
0x9: {  	[smem:$0x3FAE] =	sst s1  }
0xa: {  	[smem:$0x3FAF] =	sst s2  }
0xb: {  	[smem:$0x3FB0] =	sst s3  }
0xc: {  	[smem:$0x3FB1] =	sst s4  }
0xd: {  	[smem:$0x3FB2] =	sst s5  }
0xe: {  	[smem:$0x3FB3] =	sst s6  }
0xf: {  	[smem:$0x3FB4] =	sst s7  }
0x10: {  	[smem:$0x3FB5] =	sst s8  }
0x11: {  	[smem:$0x3FB6] =	sst s9;
	s0 =	simm.s32 @!p0 $0x0  }
0x12: {  	s1 =	sld [smem:$0x3F9C];
	s0 =	simm.s32 @p0 $0x1  }
0x13: {  	[smem:$0x3FB7] =	sst s0;
	s0 =	simm.s32 @!p1 $0x0  }
0x14: {  	s2 =	sld [smem:$0x3F9B];
	s0 =	simm.s32 @p1 $0x1  }
0x15: {  	[smem:$0x3FB8] =	sst s0;
	s0 =	simm.s32 @!p2 $0x0  }
0x16: {  	s3 =	sld [smem:$0x3FDB];
	s0 =	simm.s32 @p2 $0x1  }
0x17: {  	s4 =	simm.s32 $0x1BF5;
	[smem:$0x3FBA] =	sst s0  }
0x18: {  	s0 =	sld [smem:$0x3F9D];
	_ =	swait.ge [sflag:s4], $0x0  }
0x19: {  	s7 =	sld [smem:$0x3F9E]  }
0x1a: {  	s8 =	sadd.s32 $0xFFFFE003, lr  }
0x1b: {  	s9 =	sadd.s32 $0xFFFFFEF7, lr;
	s5 =	simm.s32 $0xFFFFFFFF;
	p2 =	slt.u32 s8, $0xFFFFF086  }
0x1c: {  	p1 =	slt.u32 s9, $0xF7A;
	s5 =	simm.s32 @!p2 $0x0  }
0x1d: {  	s5 =	simm.s32 @p1 $0x1;
	p0 =	seq.s32 s7, s2  }
0x1e: {  	s7 =	smul.u32 @!p0 $0xF7A, s2;
	p2 =	seq.s32 @!p0 s5, $0x0  }
0x1f: {  	s9 =	smul.u32 $0xF7A, s1;
	s8 =	simm.s32 @!p0 $0x1BF5;
	p2 =	por !p2, p0  }
0x20: {  	[sflag:s8] =	ssyncset.s32 @!p0 $0xFFFFF086;
	s6 =	sadd.s32 @!p0 s3, s7;
	s7 =	simm.s32 @!p0 $0x108  }
0x21: {  	s3 =	sadd.s32 s3, s9;
	s6 =	sadd.s32 @!p0 $0x88, s6;
	s7 =	simm.s32 @p2 $0x1082  }
0x22: {  	[simem:s7], [sflag:s8] =	dma.local @!p0 [hbm:s6], $0xF7A  }
0x23: {  	s9 =	sor.u32 $0xD0000000, s2;
	s6 =	simm.s32 $0x108;
	_ =	swait.ge @!p0 [sflag:s8], $0x0  }
0x24: {  	s3 =	sadd.s32 $0x88, s3;
	s6 =	simm.s32 @!p1 $0x1082;
	[sflag:s4] =	ssyncset.s32 $0xFFFFF086  }
0x25: {  	[simem:s6], [sflag:s4] =	dma.local [hbm:s3], $0xF7A  }
0x26: {  	[smem:$0x3F9E] =	sst s1;
	(tag) =	ssettag s2;
	_ =	strace s9  }
0x27: {  	s1 =	sld [smem:$0x3FAE]  }
0x28: {  	s2 =	sld [smem:$0x3FAF]  }
0x29: {  	s4 =	sld [smem:$0x3FB1]  }
0x2a: {  	p0 =	seq.s32 s5, $0x0;
	s5 =	sld [smem:$0x3FB2]  }
0x2b: {  	s6 =	sld [smem:$0x3FB3]  }
0x2c: {  	s7 =	sld [smem:$0x3FB4]  }
0x2d: {  	s3 =	simm.s32 $0x108;
	s8 =	sld [smem:$0x3FB5]  }
0x2e: {  	s3 =	simm.s32 @!p0 $0x1082;
	s9 =	sld [smem:$0x3FB6]  }
0x2f: {  	lr =	sadd.s32 s0, s3;
	s0 =	sld [smem:$0x3FAD]  }
0x30: {  	s3 =	sld [smem:$0x3FB0]  }
0x31: {  	[smem:$0x3FB9] =	sst s10  }
0x32: {  	s10 =	sld [smem:$0x3FB7];
	_ =	sdelay $0x3  }
0x33: {  	p0 =	seq.s32 s10, $0x1;
	s10 =	sld [smem:$0x3FB9];
	_ =	sdelay $0x3  }
0x34: {  	[smem:$0x3FB9] =	sst s10  }
0x35: {  	s10 =	sld [smem:$0x3FB8];
	_ =	sdelay $0x3  }
0x36: {  	p1 =	seq.s32 s10, $0x1;
	s10 =	sld [smem:$0x3FB9];
	_ =	sdelay $0x3  }
0x37: {  	[smem:$0x3FB9] =	sst s10  }
0x38: {  	s10 =	sld [smem:$0x3FBA]  }
0x39: {  	_ = 	snop;
	(pc) =	sbr.ind lr, $3  }
0x3a: {  	_ = 	snop  }
0x3b: {  	_ = 	snop  }
0x3c: {  	p2 =	seq.s32 s10, $0x1;
	s10 =	sld [smem:$0x3FB9]  }
0x3d: {  	_ =	shalt  }
0x3e: {  	_ =	shalt  }
0x3f: {  	_ =	shalt  }
0x40: {  	_ =	shalt  }
0x41: {  	_ =	shalt  }
0x42: {  	_ =	shalt  }
0x43: {  	_ =	shalt  }
0x44: {  	_ =	shalt  }
0x45: {  	_ =	shalt  }
0x46: {  	_ =	shalt  }
0x47: {  	_ =	shalt  }
0x48: {  	_ =	shalt  }
0x49: {  	_ =	shalt  }
0x4a: {  	_ =	shalt  }
0x4b: {  	_ =	shalt  }
0x4c: {  	_ =	shalt  }
0x4d: {  	_ =	shalt  }
0x4e: {  	_ =	shalt  }
0x4f: {  	_ =	shalt  }
0x50: {  	_ =	shalt  }
0x51: {  	_ =	shalt  }
0x52: {  	_ =	shalt  }
0x53: {  	_ =	shalt  }
0x54: {  	_ =	shalt  }
0x55: {  	_ =	shalt  }
0x56: {  	_ =	shalt  }
0x57: {  	_ =	shalt  }
0x58: {  	_ =	shalt  }
0x59: {  	_ =	shalt  }
0x5a: {  	_ =	shalt  }
0x5b: {  	_ =	shalt  }
0x5c: {  	_ =	shalt  }
0x5d: {  	_ =	shalt  }
0x5e: {  	_ =	shalt  }
0x5f: {  	_ =	shalt  }
0x60: {  	_ =	shalt  }
0x61: {  	_ =	shalt  }
0x62: {  	_ =	shalt  }
0x63: {  	_ =	shalt  }
0x64: {  	_ =	shalt  }
0x65: {  	_ =	shalt  }
0x66: {  	_ =	shalt  }
0x67: {  	_ =	shalt  }
0x68: {  	_ =	shalt  }
0x69: {  	_ =	shalt  }
0x6a: {  	_ =	shalt  }
0x6b: {  	_ =	shalt  }
0x6c: {  	_ =	shalt  }
0x6d: {  	_ =	shalt  }
0x6e: {  	_ =	shalt  }
0x6f: {  	_ =	shalt  }
0x70: {  	_ =	shalt  }
0x71: {  	_ =	shalt  }
0x72: {  	_ =	shalt  }
0x73: {  	_ =	shalt  }
0x74: {  	_ =	shalt  }
0x75: {  	_ =	shalt  }
0x76: {  	_ =	shalt  }
0x77: {  	_ =	shalt  }
0x78: {  	_ =	shalt  }
0x79: {  	_ =	shalt  }
0x7a: {  	_ =	shalt  }
0x7b: {  	_ =	shalt  }
0x7c: {  	_ =	shalt  }
0x7d: {  	_ =	shalt  }
0x7e: {  	_ =	shalt  }
0x7f: {  	_ =	shalt  }
0x80: {  	_ =	shalt  }
0x81: {  	_ =	shalt  }
0x82: {  	_ =	shalt  }
0x83: {  	_ =	shalt  }
0x84: {  	_ =	shalt  }
0x85: {  	_ =	shalt  }
0x86: {  	_ =	shalt  }
0x87: {  	_ =	shalt  }
.Lfunc_end0:
.L_simem_size_0:
called_computation_lowered:
.L_overlay_start_0:
0x88: {  	s2 =	sld [smem:$0x3FD9]  }
0x89: {  	s3 =	sld [smem:$0x3FFE];
	_ =	sdelay $0x1  }
0x8a: {  	s1 =	srdreg.scid  }
0x8b: {  	s0 =	sand.u32 $0x1, s1  }
0x8c: {  	s17 =	sshll.u32 s0, $0xA;
	s2 =	sadd.s32 s3, s2  }
0x8d: {  	s2 =	sadd.s32 s2, s17  }
0x8e: {  	[smem:$0x3FC5] =	sst s2  }
0x8f: {  	_ = 	snop  }
0x90: {  	s2 =	sld [smem:$0x3FC9]  }
0x91: {  	s18 =	sld [smem:$0x3FD0];
	(tm) =	ssettm $0x1  }
0x92: {  	s4 =	sld [smem:$0x3FFB];
	_ =	sdelay $0x3  }
0x93: {  	_ =	strace s4  }
0x94: {  	s4 =	sld [smem:$0x3FFC];
	_ =	sdelay $0x3  }
0x95: {  	_ =	strace s4  }
0x96: {  	s4 =	sld [smem:$0x3FFD];
	_ =	sdelay $0x3  }
0x97: {  	_ =	strace s4  }
0x98: {  	_ =	strace $0x8FFFFFFF  }
0x99: {  	s19 =	sld [smem:$0x3FDB];
	_ =	sdelay $0x1  }
0x9a: {  	s5 =	simm.s32 $_scs_section_size  }
0x9b: {  	s6 =	simm.s32 $_size__tile_overlayer_lowered;
	s7 =	simm.s32 $_tile_overlayer_lowered  }
0x9c: {  	s22 =	simm.s32 $0x1BFF;
	s21 =	sshll.u32 s7, $0x1;
	s4 =	sadd.s32 s5, s19  }
0x9d: {  	s8 =	simm.s32 $0x0;
	s20 =	sshll.u32 s6, $0x1;
	s6 =	sadd.s32 s21, s4  }
0x9e: {  	[timem:s8], [sflag:s22] =	dma.local [hbm:s6], s20  }
0x9f: {  	_ =	swait.ge [sflag:s22], s20  }
0xa0: {  	s5 =	ssub.s32 $0x0, s20;
	[sflag:s22] =	ssyncset.done $0x0  }
0xa1: {  	[sflag:s22] =	ssyncadd.s32 s5;
	_ =	sdelay $0x1  }
0xa2: {  	s23 =	simm.s32 $0x1B8B  }
0xa3: {  	_ =	swait.ge [sflag:s23], $0x1  }
0xa4: {  	[sflag:s23] =	ssyncset.done $0x0  }
0xa5: {  	s25 =	simm.s32 $0x1B8E;
	s24 =	sld [smem:$0x3FFE];
	[sflag:s23] =	ssyncadd.s32 $0xFFFFFFFF  }
0xa6: {  	s26 =	simm.s32 $execute0_lowered;
	[smem:$0x3FD2] =	sst s25  }
0xa7: {  	s6 =	sshll.u32 s26, $0x1;
	_ =	strace $0x80000046;
	[dreg:$0x1] =	wrdreg $0xFFFFFFFF  }
0xa8: {  	s28 =	simm.s32 $_size_execute0_lowered;
	s4 =	sadd.s32 s4, s6;
	[dreg:$0x0] =	wrdreg $0x0  }
0xa9: {  	s6 =	sshll.u32 s28, $0x1;
	[dreg:$0x2] =	wrdreg s4  }
0xaa: {  	[dreg:$0x3] =	wrdreg s6  }
0xab: {  	[dreg:$0x4] =	wrdreg $0xC0  }
0xac: {  	_ =	task [dreg:s8], $0x5FFFF  }
0xad: {  	[dreg:$0x1] =	wrdreg $0xFFFFFFFF  }
0xae: {  	[dreg:$0x0] =	wrdreg $0x60  }
0xaf: {  	[dreg:$0x2] =	wrdreg s2  }
0xb0: {  	[dreg:$0x3] =	wrdreg s18  }
0xb1: {  	[dreg:$0x4] =	wrdreg s24  }
0xb2: {  	[dreg:$0x5] =	wrdreg $0x9  }
0xb3: {  	_ =	task.clear_ibuf [dreg:s8], $0x6FFFF;
	_ =	strace $0x90000046  }
0xb4: {  	s29 =	simm.s32 $0x9;
	_ =	strace $0x80000048  }
0xb5: {  	_ =	swait.ge [sflag:s29], $0x1  }
0xb6: {  	[sflag:s29] =	ssyncadd.s32 $0xFFFFFFFF  }
0xb7: {  	_ =	strace $0x90000048  }
0xb8: {  	_ =	sfence  }
0xb9: {  	s30 =	sld [smem:$0x0];
	_ =	sdelay $0x2  }
0xba: {  	s31 =	sshll.u32 s1, $0xD;
	s1 =	sshrl.u32 s1, $0x2  }
0xbb: {  	s3 =	sand.u32 $0x4000, s31;
	s1 =	sadd.s32 s1, s30  }
0xbc: {  	s0 =	sor.u32 s3, s0;
	s1 =	sshll.u32 s1, $0x11  }
0xbd: {  	s0 =	sor.u32 s1, s0  }
0xbe: {  	s0 =	sadd.s32 $0x8F2B, s0  }
0xbf: {  	[sflag:s0] =	ssyncadd.remote.s32 $0x1  }
0xc0: {  	_ =	sfence.sel $0xFFFF  }
0xc1: {  	[dreg:$0x0] =	wrdreg $0xFFFFFFFF;
	(pc) =	sbr.abs _section_cstart, $3  }
0xc2: {  	[dreg:$0x1] =	wrdreg $0xFFFFFFFF  }
0xc3: {  	_ =	task.clear_ibuf [dreg:s8], $0x2FFFF;
	_ =	strace $0x9FFFFFFF  }
0xc4: {  	(tm) =	ssettm $0x7FFFFFFF  }
0xc5: {  	_ =	shalt  }
tec
execute0_lowered:
.L_overlay_start_1:
0x0: {  	(tag) =	ssettag $0x1  }
0x1: {  	s2 =	srdreg.scid;
	s0 =	stileid.u32  }
0x2: {  	s1 =	rddreg [dreg:$0x0];
	s5 =	sand.u32 $0x1, s2;
	s28 =	sshll.u32 s0, $0x1  }
0x3: {  	s4 =	rddreg [dreg:$0x1];
	s7 =	sor.u32 s5, s28  }
0x4: {  	s6 =	rddreg [dreg:$0x2];
	s8 =	sshll.u32 s7, $0x4  }
0x5: {  	s3 =	simm.s32 $0x0;
	s10 =	simm.s32 $0x500;
	s8 =	sand.u32 $0x30, s8  }
0x6: {  	s11 =	simm.s32 $0x1;
	s12 =	simm.s32 $0x0;
	[smem:$0x7FF] =	sst s3;
	v0 =	vmov s8  }
0x7: {  	s2 =	rddreg [dreg:$0x3];
	s9 =	sshll.u32 s0, $0x4;
	_ =	strace $0x80000047;
	v0 =	vshll.u32 v0, $0x6  }
0x8: {  	v1 =	vlaneseq.u32;
	s5 =	ssub.s32 $0x2, s5;
	s31 =	sand.u32 $0xE0, s9;
	s9 =	simm.s32 $0x100;
	v0 =	vshll.u32 v0, $0x7  }
0x9: {  	v1 =	vmul.u32 $0x80, v1;
	s7 =	sshll.u32 s7, $0x7;
	s29 =	sshrl.u32 s5, $0x1;
	s4 =	sadd.s32 s4, s31;
	v0 =	vbroadcast v0, $0x0  }
0xa: {  	s6 =	sadd.s32 s7, s6;
	s30 =	ssub.s32 s5, s29;
	s7 =	simm.s32 $0x2  }
0xb: {  	s5 =	sadd.s32 $0x400, s6;
	s6 =	smax.u32 s30, $0x1;
	s8 =	simm.s32 $0x400;
	v0 =	vor.u32 v1, v0  }
.LBB2_1:
0xc: {  	[tilespmem:s3], [sflag:$0x2] =	stream.linear.gather [hbm4b:s4+s3], $0x100, $0x38;
	[tilespmem:$0x900] =	vst v63  }
0xd: {  	_ =	swait.ge [sflag:s7], $0x100  }
0xe: {  	[sflag:s7] =	ssyncset.done $0x0  }
0xf: {  	[sflag:s7] =	ssyncadd.s32 $0xFFFFFF00  }
0x10: {  	v1 =	vld [tilespmem:$0x0];
	_ =	sdelay $0x1  }
0x11: {  	v2 =	vld [tilespmem:$0x80];
	_ =	sdelay $0x2  }
0x12: {  	v1 =	vshll.u32 v1, $0x13  }
0x13: {  	v1 =	vor.u32 v0, v1  }
0x14: {  	s14 =	simm.s32 $0x1800;
	v1 =	vadd.s32 v2, v1  }
0x15: {  	s13 =	simm.s32 $0x120;
	s15 =	simm.s32 $0x800;
	v2 =	vadd.s32 s14, v1  }
0x16: {  	s31 =	simm.s32 $0x1000;
	v3 =	vadd.s32 s15, v1;
	[tilespmem:s13+$0x10] =	vst v2  }
0x17: {  	[tilespmem:s13+$0xFFFFFFF0] =	vst v3;
	v2 =	vadd.s32 s31, v1  }
0x18: {  	v3 =	vadd.s32 s3, v1;
	[tilespmem:s13+$0x0] =	vst v2  }
0x19: {  	s14 =	simm.s32 $0x2000;
	[tilespmem:s13+$0xFFFFFFE0] =	vst v3  }
.LBB2_2:
0x1a: {  	s15 =	sadd.s32 $0x1800, s14  }
0x1b: {  	p0 =	sne.s32 s14, $0x1E000;
	s16 =	smov.u32 s14;
	s14 =	sadd.s32 $0x2000, s14  }
.Ltmp0:
0x1c: {  	s13 =	sadd.s32 $0x40, s13;
	s17 =	sadd.s32 $0x800, s16;
	v2 =	vadd.s32 s15, v1;
	(pc) =	sbr.rel @p0 .LBB2_2-.Ltmp0, $4  }
0x1d: {  	s15 =	sadd.s32 $0x1000, s16;
	v3 =	vadd.s32 s17, v1;
	[tilespmem:s13+$0x10] =	vst v2  }
0x1e: {  	v2 =	vadd.s32 s15, v1;
	[tilespmem:s13+$0xFFFFFFF0] =	vst v3  }
0x1f: {  	v3 =	vadd.s32 s16, v1;
	[tilespmem:s13+$0x0] =	vst v2  }
0x20: {  	[tilespmem:s13+$0xFFFFFFE0] =	vst v3  }
0x21: {  	[tilespmem:s10], [sflag:$0x1] =	stream.indirect.gather [hbm4b:s1+s8], $0x1, s9, s8, $0xb8;
	[tilespmem:$0x900] =	vst v63  }
0x22: {  	s12 =	sadd.s32 $0x1, s12;
	_ =	swait.ge [sflag:s11], $0x400  }
0x23: {  	p0 =	sne.s32 s12, s6;
	[sflag:s11] =	ssyncset.done $0x0  }
.Ltmp1:
0x24: {  	[sflag:s11] =	ssyncadd.s32 $0xFFFFFC00;
	(pc) =	sbr.rel @p0 .LBB2_1-.Ltmp1, $4  }
0x25: {  	[hbm4b:s5+s3] =	stream.linear.scatter [tilespmem:s10], [sflag:$0x2], $0x400, $0x38;
	[tilespmem:$0x900] =	vst v63  }
0x26: {  	_ =	swait.ge [sflag:s7], $0x400  }
0x27: {  	[sflag:s7] =	ssyncset.done $0x0  }
0x28: {  	[sflag:s7] =	ssyncadd.s32 $0xFFFFFC00  }
0x29: {  	_ =	sfence.sel $0x180000  }
0x2a: {  	[bflag:$0x0] =	sbarrier.arrive $0xFFFF  }
0x2b: {  	p0 =	sne.s32 s0, $0x0;
	_ =	strace $0x90000047  }
0x2c: {  	s0 =	sadd.s32 @!p0 $0x100000, s2;
	[bflag:$0x2] =	sbarrier.arrive $0xFFFF  }
0x2d: {  	[sflag:s0] =	ssyncadd.tile.s32 @!p0 $0x1;
	_ =	shalt  }
.Lfunc_end2:
_tile_overlayer_lowered:
.L_overlay_start_2:
0x2e: {  	(tag) =	ssettag $0x2  }
0x2f: {  	s0 =	rddreg [dreg:$0x0];
	s2 =	stileid.u32  }
0x30: {  	s1 =	rddreg [dreg:$0x1];
	p0 =	sne.s32 s2, $0x0  }
0x31: {  	s3 =	rddreg [dreg:$0x2];
	[bflag:$0x3] =	sbarrier.arrive $0xFFFF;
	s2 =	simm.s32 @!p0 $0x1C02  }
0x32: {  	[timem:s3], [sflag:s2] =	dma.local @!p0 [hbm:s0], s1  }
0x33: {  	s0 =	simm.s32 @!p0 $0x2  }
0x34: {  	_ =	swait.ge @!p0 [sflag:s0], s1  }
0x35: {  	s1 =	ssub.s32 @!p0 $0x0, s1;
	[sflag:s0] =	ssyncset.done @!p0 $0x0  }
0x36: {  	[sflag:s0] =	ssyncadd.s32 @!p0 s1  }
0x37: {  	[bflag:$0x3] =	sbarrier.arrive $0xFFFF  }
0x38: {  	_ =	shalt  }

</sc_bundles>
